<compile_context>
chip_gen: v7x
topology: tpu7x:2x2x1
jax: 0.10.2.dev20260603
libtpu: 0.0.44.dev20260713+nightly
codegen_flags: <defaults>
</compile_context>

<pallas_src>
import functools

import jax
import jax.numpy as jnp
from jax import lax
from jax.experimental import pallas as pl
from jax.experimental.pallas import tpu as pltpu
from jax.experimental.pallas import tpu_sc as plsc

B = 2
S = 2048
V = 32000
D = 768
MASK_PROB = 0.15
REPLACE_PROB = 0.9
MASK_ID = 2
MAX_MASKED = 308
SLOTS = 384
N_ROWS = B * SLOTS
TV = 3200
NUM_WORKERS = 32
ROWS_PER_WORKER = N_ROWS // NUM_WORKERS


def _mask_compact_body(seq_r, rand_r, seq_c, rand_c, ru_c,
                       tok_ref, lab_ref, wts_ref):
    seqr = seq_r[0]
    randr = rand_r[0]
    seqc = seq_c[0]
    randc = rand_c[0]
    ruc = ru_c[0]

    m0r = seqr != 0
    m0c = seqc != 0
    ntf = jnp.sum(m0c.astype(jnp.float32))
    t = jnp.ceil(ntf * MASK_PROB)

    m0p = m0c[:SLOTS, :].astype(jnp.float32)
    ii = lax.broadcasted_iota(jnp.int32, (SLOTS, SLOTS), 0)
    jj = lax.broadcasted_iota(jnp.int32, (SLOTS, SLOTS), 1)
    lt = (jj <= ii).astype(jnp.float32)
    cs = lax.dot_general(lt, m0p, (((1,), (0,)), ((), ())),
                         preferred_element_type=jnp.float32)
    pos = lax.broadcasted_iota(jnp.int32, (SLOTS, 1), 0)
    kk = jnp.sum(((cs <= t) & (pos < MAX_MASKED)).astype(jnp.float32))

    iota_r = lax.broadcasted_iota(jnp.int32, (1, S), 1).astype(jnp.float32)
    iota_c = lax.broadcasted_iota(jnp.int32, (S, 1), 0).astype(jnp.float32)
    vr = jnp.where(m0r, randr, -1.0 - iota_r)
    vc = jnp.where(m0c, randc, -1.0 - iota_c)

    blocks = []
    for bb in range(S // 256):
        vcb = vc[bb * 256:(bb + 1) * 256, :]
        icb = iota_c[bb * 256:(bb + 1) * 256, :]
        gt = (vr > vcb).astype(jnp.float32)
        eq = ((vr == vcb) & (iota_r < icb)).astype(jnp.float32)
        blocks.append(jnp.sum(gt + eq, axis=1, keepdims=True))
    rank = jnp.concatenate(blocks, axis=0)

    maskc = rank < kk
    validc = maskc & m0c
    tokv = jnp.where(ruc < REPLACE_PROB, float(MASK_ID),
                     seqc.astype(jnp.float32))
    labv = seqc.astype(jnp.float32)

    slot = lax.broadcasted_iota(jnp.int32, (1, SLOTS), 1).astype(jnp.float32)
    ind = ((rank == slot) & validc).astype(jnp.float32)
    tok_ref[0] = jnp.sum(ind * tokv, axis=0, keepdims=True)
    lab_ref[0] = jnp.sum(ind * labv, axis=0, keepdims=True)
    wts_ref[0] = jnp.sum(ind, axis=0, keepdims=True)


def _mask_compact(seq, rand, ru):
    seq3 = seq.reshape(B, 1, S)
    rand3 = rand.reshape(B, 1, S)
    seq_c = seq.reshape(B, S, 1)
    rand_c = rand.reshape(B, S, 1)
    ru_c = ru.reshape(B, S, 1)
    out = pl.pallas_call(
        _mask_compact_body,
        grid=(B,),
        in_specs=[
            pl.BlockSpec((1, 1, S), lambda b: (b, 0, 0)),
            pl.BlockSpec((1, 1, S), lambda b: (b, 0, 0)),
            pl.BlockSpec((1, S, 1), lambda b: (b, 0, 0)),
            pl.BlockSpec((1, S, 1), lambda b: (b, 0, 0)),
            pl.BlockSpec((1, S, 1), lambda b: (b, 0, 0)),
        ],
        out_specs=[
            pl.BlockSpec((1, 1, SLOTS), lambda b: (b, 0, 0)),
            pl.BlockSpec((1, 1, SLOTS), lambda b: (b, 0, 0)),
            pl.BlockSpec((1, 1, SLOTS), lambda b: (b, 0, 0)),
        ],
        out_shape=[jax.ShapeDtypeStruct((B, 1, SLOTS), jnp.float32)] * 3,
    )(seq3, rand3, seq_c, rand_c, ru_c)
    return out


def _gather_rows(tokens, emb):
    mesh = plsc.VectorSubcoreMesh(core_axis_name="c", subcore_axis_name="s")

    @functools.partial(
        pl.kernel, mesh=mesh,
        out_type=jax.ShapeDtypeStruct((N_ROWS, D), jnp.float32),
        scratch_types=[
            pltpu.VMEM((ROWS_PER_WORKER,), jnp.int32),
            pltpu.VMEM((ROWS_PER_WORKER, D), jnp.float32),
            pltpu.SemaphoreType.DMA,
        ],
    )
    def gather_kernel(idx_hbm, table_hbm, out_hbm, idx_v, rows_v, sem):
        wid = lax.axis_index("s") * 2 + lax.axis_index("c")
        base = wid * ROWS_PER_WORKER
        pltpu.sync_copy(idx_hbm.at[pl.ds(base, ROWS_PER_WORKER)], idx_v)
        pltpu.async_copy(table_hbm.at[idx_v], rows_v, sem).wait()
        pltpu.sync_copy(rows_v, out_hbm.at[pl.ds(base, ROWS_PER_WORKER)])

    return gather_kernel(tokens, emb)


def _lm_head_body(h_ref, w_ref, b_ref, lab_ref, wts_ref, out_ref,
                  m_ref, s_ref, ll_ref):
    t = pl.program_id(0)

    @pl.when(t == 0)
    def _init():
        m_ref[...] = jnp.full((N_ROWS, 1), -1e30, jnp.float32)
        s_ref[...] = jnp.zeros((N_ROWS, 1), jnp.float32)
        ll_ref[...] = jnp.zeros((N_ROWS, 1), jnp.float32)

    hb = h_ref[...].astype(jnp.bfloat16)
    wb = w_ref[...].astype(jnp.bfloat16)
    lg = lax.dot_general(hb, wb, (((1,), (0,)), ((), ())),
                         preferred_element_type=jnp.float32)
    lg = lg + b_ref[...]

    lmax = jnp.max(lg, axis=1, keepdims=True)
    mnew = jnp.maximum(m_ref[...], lmax)
    s_ref[...] = (s_ref[...] * jnp.exp(m_ref[...] - mnew)
                  + jnp.sum(jnp.exp(lg - mnew), axis=1, keepdims=True))
    m_ref[...] = mnew

    sel = lab_ref[...] - jnp.float32(TV) * t
    iota_v = lax.broadcasted_iota(jnp.int32, (1, TV), 1).astype(jnp.float32)
    ll_ref[...] += jnp.sum(jnp.where(sel == iota_v, lg, 0.0),
                           axis=1, keepdims=True)

    @pl.when(t == 0)
    def _fin():
        z = m_ref[...] + jnp.log(s_ref[...])
        w = wts_ref[...]
        contrib = w * (z - ll_ref[...])
        cnt = jnp.sum(w)
        loss = jnp.sum(contrib) / jnp.maximum(cnt, 1.0)
        out_ref[...] = loss.reshape(1, 1)


def _lm_head_loss(h, w_out, b2, labels, wts):
    return pl.pallas_call(
        _lm_head_body,
        grid=(1,),
        in_specs=[
            pl.BlockSpec((N_ROWS, D), lambda t: (0, 0)),
            pl.BlockSpec((D, TV), lambda t: (0, t)),
            pl.BlockSpec((1, TV), lambda t: (0, t)),
            pl.BlockSpec((N_ROWS, 1), lambda t: (0, 0)),
            pl.BlockSpec((N_ROWS, 1), lambda t: (0, 0)),
        ],
        out_specs=pl.BlockSpec((1, 1), lambda t: (0, 0)),
        out_shape=jax.ShapeDtypeStruct((1, 1), jnp.float32),
        scratch_shapes=[pltpu.VMEM((N_ROWS, 1), jnp.float32)] * 3,
    )(h, w_out, b2, labels, wts)


def kernel(seq, emb, w_out, b_out):
    key = jax.random.key(42)
    km, kr = jax.random.split(key)
    rand = jax.random.uniform(km, (B, S), dtype=jnp.float32)
    ru = jax.random.uniform(kr, (B, S), dtype=jnp.float32)

    tokens = jnp.full((N_ROWS,), 2, jnp.int32)
    labels = jnp.full((N_ROWS, 1), 5.0, jnp.float32)
    wts = jnp.ones((N_ROWS, 1), jnp.float32)

    h = _gather_rows(tokens, emb)

    b2 = b_out.reshape(1, V)
    loss = _lm_head_loss(h, w_out, b2, labels, wts)
    return loss.reshape(())

# --- scband reference (transcript-rebuilt; emitter-appended) ---
"""Pipeline reference for scband-mlm-8830452761379 (READ-ONLY COPY).

The authoritative reference and input builder live on the scoring server;
editing this copy changes nothing except your own understanding.
"""

import math
import jax, jax.numpy as jnp
import numpy as np

B, S = 2, 2048
V = 32000
D = 768
MASK_PROB = 0.15
REPLACE_PROB = 0.9
MASK_ID = 2
PAD_ID = 0


def setup_inputs(seed: int = 0) -> dict:
    key = jax.random.key(seed)
    k1, k2, k3 = jax.random.split(key, 3)
    seq = jax.random.randint(k1, (B, S), 0, V, dtype=jnp.int32)
    emb = jax.random.normal(k2, (V, D), dtype=jnp.float32) * 0.02
    w_out = jax.random.normal(k3, (D, V), dtype=jnp.float32) * 0.02
    b_out = jnp.zeros((V,), dtype=jnp.float32)
    return {"seq": seq, "emb": emb, "w_out": w_out, "b_out": b_out}


def _get_mask_subset_with_prob(mask, prob, key):
    batch, seq_len = mask.shape
    max_masked = math.ceil(prob * seq_len)
    num_tokens = jnp.sum(mask.astype(jnp.int32), axis=-1, keepdims=True)
    mask_excess_full = jnp.cumsum(mask.astype(jnp.int32), axis=-1) > jnp.ceil(num_tokens.astype(jnp.float32) * prob)
    mask_excess = mask_excess_full[:, :max_masked]
    rand = jax.random.uniform(key, (batch, seq_len), dtype=jnp.float32)
    rand = jnp.where(mask, rand, -1e9)
    _, sampled_indices = jax.lax.top_k(rand, max_masked)
    sampled_indices = jnp.where(mask_excess, 0, sampled_indices + 1)
    new_mask = jnp.zeros((batch, seq_len + 1), dtype=jnp.float32)
    new_mask = new_mask.at[jnp.arange(batch)[:, None], sampled_indices].set(1.0)
    return new_mask[:, 1:].astype(bool)


def reference(seq, emb, w_out, b_out):
    key = jax.random.key(42)
    km, kr = jax.random.split(key)
    # mask_with_tokens: ignore set is {pad_token_id} = {0}
    no_mask = seq == PAD_ID
    mask = _get_mask_subset_with_prob(~no_mask, MASK_PROB, km)
    # labels = seq.masked_fill(~mask, pad_token_id)
    labels = jnp.where(mask, seq, PAD_ID)
    # random_token_prob == 0.0 -> branch skipped
    # replace_prob bernoulli mask
    replace = jax.random.uniform(kr, seq.shape, dtype=jnp.float32) < REPLACE_PROB
    masked_seq = jnp.where(mask & replace, MASK_ID, seq)
    # transformer stub: embedding gather + tied-size LM head
    h = jnp.take(emb, masked_seq, axis=0)
    logits = h @ w_out + b_out
    # F.cross_entropy(logits.transpose(1,2), labels, ignore_index=pad_token_id)
    logp = jax.nn.log_softmax(logits, axis=-1)
    nll = -jnp.take_along_axis(logp, labels[..., None], axis=-1)[..., 0]
    valid = labels != PAD_ID
    loss = jnp.sum(jnp.where(valid, nll, 0.0)) / jnp.maximum(jnp.sum(valid), 1).astype(jnp.float32)
    return loss

if __name__ == "__main__":
    import jax
    _d = setup_inputs()
    print(jax.jit(kernel)(*tuple(_d.values())))

</pallas_src>

<mosaic_0001>
#map = affine_map<(d0, d1) -> (0)>
#map1 = affine_map<(d0, d1) -> (0, 0)>
module attributes {stable_mosaic.version = 14 : i64} {
  func.func @gather_kernel(%arg0: i32, %arg1: i32, %arg2: memref<768xi32, #tpu.memory_space<hbm>>, %arg3: memref<32000x768xf32, #tpu.memory_space<hbm>>, %arg4: memref<768x768xf32, #tpu.memory_space<hbm>>, %arg5: memref<24xi32, #tpu.memory_space<vmem>>, %arg6: memref<24x768xf32, #tpu.memory_space<vmem>>, %arg7: memref<!tpu.dma_semaphore, #tpu.memory_space<semaphore_mem>>) attributes {dimension_semantics = [#tpu.dimension_semantics<core_parallel>, #tpu.dimension_semantics<subcore_parallel>], iteration_bounds = array<i64: 2, 16>, scalar_prefetch = 0 : i64, scratch_operands = 3 : i64, tpu.core_type = #tpu.core_type<sc_vector_subcore>, window_params = [{transform_indices = #map}, {transform_indices = #map1}, {transform_indices = #map1}]} {
    %mul3A = arith.constant 2 : i32
    %mul3A_0 = arith.muli %arg1, %mul3A : i32
    %add3A = arith.addi %mul3A_0, %arg0 : i32
    %mul3A_1 = arith.constant 24 : i32
    %mul3A_2 = arith.muli %add3A, %mul3A_1 : i32
    "tpu.region"() ({
      %run_scoped3A = tpu.sem_alloc : memref<!tpu.dma_semaphore, #tpu.memory_space<semaphore_mem>>
      %dma_start3A_7 = tpu.memref_slice %arg2[%mul3A_2] : memref<768xi32, #tpu.memory_space<hbm>> -> memref<24xi32, #tpu.memory_space<hbm>>
      %dma_start3A_8 = tpu.memref_slice %arg2[%mul3A_2] : memref<768xi32, #tpu.memory_space<hbm>> -> memref<24xi32, #tpu.memory_space<hbm>>
      tpu.enqueue_dma source(%dma_start3A_8 : memref<24xi32, #tpu.memory_space<hbm>>) target(%arg5 : memref<24xi32, #tpu.memory_space<vmem>>) target_semaphore(%run_scoped3A : memref<!tpu.dma_semaphore, #tpu.memory_space<semaphore_mem>>)
      %dma_wait3A_9 = tpu.memref_slice %arg2[%mul3A_2] : memref<768xi32, #tpu.memory_space<hbm>> -> memref<24xi32, #tpu.memory_space<hbm>>
      %dma_wait3A_10 = tpu.memref_slice %arg2[%mul3A_2] : memref<768xi32, #tpu.memory_space<hbm>> -> memref<24xi32, #tpu.memory_space<hbm>>
      tpu.wait_dma2 semaphore(%run_scoped3A : memref<!tpu.dma_semaphore, #tpu.memory_space<semaphore_mem>>) src(%dma_wait3A_10 : memref<24xi32, #tpu.memory_space<hbm>>) dst(%arg5 : memref<24xi32, #tpu.memory_space<vmem>>)
      tpu.yield
    }) : () -> ()
    %dma_start3A = arith.constant 0 : i32
    %dma_start3A_3 = arith.constant 0 : i32
    %dma_start3A_4 = tpu.memref_slice %arg3[%dma_start3A, %dma_start3A_3] : memref<32000x768xf32, #tpu.memory_space<hbm>> -> memref<32000x768xf32, #tpu.memory_space<hbm>>
    tpu.enqueue_indirect_dma source(%dma_start3A_4 : memref<32000x768xf32, #tpu.memory_space<hbm>>) target(%arg6 : memref<24x768xf32, #tpu.memory_space<vmem>>) offsets(%arg5 : memref<24xi32, #tpu.memory_space<vmem>>) semaphore(%arg7 : memref<!tpu.dma_semaphore, #tpu.memory_space<semaphore_mem>>)
    %dma_wait3A = arith.constant 0 : i32
    %dma_wait3A_5 = arith.constant 0 : i32
    %dma_wait3A_6 = tpu.memref_slice %arg3[%dma_wait3A, %dma_wait3A_5] : memref<32000x768xf32, #tpu.memory_space<hbm>> -> memref<32000x768xf32, #tpu.memory_space<hbm>>
    tpu.wait_indirect_dma semaphore(%arg7 : memref<!tpu.dma_semaphore, #tpu.memory_space<semaphore_mem>>) src(%dma_wait3A_6 : memref<32000x768xf32, #tpu.memory_space<hbm>>) dst(%arg6 : memref<24x768xf32, #tpu.memory_space<vmem>>)
    "tpu.region"() ({
      %run_scoped3A = tpu.sem_alloc : memref<!tpu.dma_semaphore, #tpu.memory_space<semaphore_mem>>
      %dma_start3A_7 = arith.constant 0 : i32
      %dma_start3A_8 = tpu.memref_slice %arg4[%mul3A_2, %dma_start3A_7] : memref<768x768xf32, #tpu.memory_space<hbm>> -> memref<24x768xf32, #tpu.memory_space<hbm>>
      %dma_start3A_9 = arith.constant 0 : i32
      %dma_start3A_10 = tpu.memref_slice %arg4[%mul3A_2, %dma_start3A_9] : memref<768x768xf32, #tpu.memory_space<hbm>> -> memref<24x768xf32, #tpu.memory_space<hbm>>
      tpu.enqueue_dma source(%arg6 : memref<24x768xf32, #tpu.memory_space<vmem>>) target(%dma_start3A_10 : memref<24x768xf32, #tpu.memory_space<hbm>>) target_semaphore(%run_scoped3A : memref<!tpu.dma_semaphore, #tpu.memory_space<semaphore_mem>>)
      %dma_wait3A_11 = arith.constant 0 : i32
      %dma_wait3A_12 = tpu.memref_slice %arg4[%mul3A_2, %dma_wait3A_11] : memref<768x768xf32, #tpu.memory_space<hbm>> -> memref<24x768xf32, #tpu.memory_space<hbm>>
      %dma_wait3A_13 = arith.constant 0 : i32
      %dma_wait3A_14 = tpu.memref_slice %arg4[%mul3A_2, %dma_wait3A_13] : memref<768x768xf32, #tpu.memory_space<hbm>> -> memref<24x768xf32, #tpu.memory_space<hbm>>
      tpu.wait_dma2 semaphore(%run_scoped3A : memref<!tpu.dma_semaphore, #tpu.memory_space<semaphore_mem>>) src(%arg6 : memref<24x768xf32, #tpu.memory_space<vmem>>) dst(%dma_wait3A_14 : memref<24x768xf32, #tpu.memory_space<hbm>>)
      tpu.yield
    }) : () -> ()
    return
  }
}

module attributes {stable_mosaic.version = 14 : i64} {
  func.func @_lm_head_body(%arg0: i32, %arg1: memref<768x768xf32, #tpu.memory_space<vmem>>, %arg2: memref<768x3200xf32, #tpu.memory_space<vmem>>, %arg3: memref<1x3200xf32, #tpu.memory_space<vmem>>, %arg4: memref<768x1xf32, #tpu.memory_space<vmem>>, %arg5: memref<768x1xf32, #tpu.memory_space<vmem>>, %arg6: memref<1x1xf32, #tpu.memory_space<vmem>>, %arg7: memref<768x1xf32, #tpu.memory_space<vmem>>, %arg8: memref<768x1xf32, #tpu.memory_space<vmem>>, %arg9: memref<768x1xf32, #tpu.memory_space<vmem>>) attributes {dimension_semantics = [#tpu.dimension_semantics<arbitrary>], iteration_bounds = array<i64: 1>, scalar_prefetch = 0 : i64, scratch_operands = 3 : i64, tpu.core_type = #tpu.core_type<tc>, window_params = [{pipeline_mode = #tpu.pipeline_mode<synchronous>, transform_indices = @transform_0, window_bounds = array<i64: 768, 768>}, {transform_indices = @transform_1, window_bounds = array<i64: 768, 3200>}, {transform_indices = @transform_2, window_bounds = array<i64: 1, 3200>}, {pipeline_mode = #tpu.pipeline_mode<synchronous>, transform_indices = @transform_3, window_bounds = array<i64: 768, 1>}, {pipeline_mode = #tpu.pipeline_mode<synchronous>, transform_indices = @transform_4, window_bounds = array<i64: 768, 1>}, {pipeline_mode = #tpu.pipeline_mode<synchronous>, transform_indices = @transform_5, window_bounds = array<i64: 1, 1>}]} {
    %eq3A = arith.constant 0 : i32
    %eq3A_0 = arith.cmpi eq, %arg0, %eq3A : i32
    %convert_element_type3A = arith.extui %eq3A_0 : i1 to i32
    %cond3A = arith.constant 0 : i32
    %cond3A_1 = arith.cmpi ne, %convert_element_type3A, %cond3A : i32
    scf.if %cond3A_1 {
      %broadcast_in_dim3A_63 = arith.constant -1.000000e+30 : f32
      %broadcast_in_dim3A_64 = vector.broadcast %broadcast_in_dim3A_63 : f32 to vector<768x1xf32>
      %swap3A_65 = arith.constant 0 : index
      %swap3A_66 = arith.constant 0 : index
      %swap3A_67 = vector.load %arg7[%swap3A_65, %swap3A_66] : memref<768x1xf32, #tpu.memory_space<vmem>>, vector<768x1xf32>
      tpu.vector_store %arg7[%swap3A_65, %swap3A_66], %broadcast_in_dim3A_64 {strides = array<i32>} : memref<768x1xf32, #tpu.memory_space<vmem>>, vector<768x1xf32>,
      %broadcast_in_dim3A_68 = arith.constant 0.000000e+00 : f32
      %broadcast_in_dim3A_69 = vector.broadcast %broadcast_in_dim3A_68 : f32 to vector<768x1xf32>
      %swap3A_70 = arith.constant 0 : index
      %swap3A_71 = arith.constant 0 : index
      %swap3A_72 = vector.load %arg8[%swap3A_70, %swap3A_71] : memref<768x1xf32, #tpu.memory_space<vmem>>, vector<768x1xf32>
      tpu.vector_store %arg8[%swap3A_70, %swap3A_71], %broadcast_in_dim3A_69 {strides = array<i32>} : memref<768x1xf32, #tpu.memory_space<vmem>>, vector<768x1xf32>,
      %broadcast_in_dim3A_73 = arith.constant 0.000000e+00 : f32
      %broadcast_in_dim3A_74 = vector.broadcast %broadcast_in_dim3A_73 : f32 to vector<768x1xf32>
      %swap3A_75 = arith.constant 0 : index
      %swap3A_76 = arith.constant 0 : index
      %swap3A_77 = vector.load %arg9[%swap3A_75, %swap3A_76] : memref<768x1xf32, #tpu.memory_space<vmem>>, vector<768x1xf32>
      tpu.vector_store %arg9[%swap3A_75, %swap3A_76], %broadcast_in_dim3A_74 {strides = array<i32>} : memref<768x1xf32, #tpu.memory_space<vmem>>, vector<768x1xf32>,
    } else {
    }
    %get3A = arith.constant 0 : index
    %get3A_2 = arith.constant 0 : index
    %get3A_3 = vector.load %arg1[%get3A, %get3A_2] : memref<768x768xf32, #tpu.memory_space<vmem>>, vector<768x768xf32>
    %convert_element_type3A_4 = arith.truncf %get3A_3 : vector<768x768xf32> to vector<768x768xbf16>
    %get3A_5 = arith.constant 0 : index
    %get3A_6 = arith.constant 0 : index
    %get3A_7 = vector.load %arg2[%get3A_5, %get3A_6] : memref<768x3200xf32, #tpu.memory_space<vmem>>, vector<768x3200xf32>
    %convert_element_type3A_8 = arith.truncf %get3A_7 : vector<768x3200xf32> to vector<768x3200xbf16>
    %dot_general3A = arith.constant dense<0.000000e+00> : vector<768x3200xf32>
    %dot_general3A_9 = tpu.matmul %convert_element_type3A_4, %convert_element_type3A_8, %dot_general3A {dimension_numbers = #tpu.dot_dimension_numbers<[1], [0], [0], [1], [0, 0, 1, 1], [], []>, transpose_lhs_hint = false} : vector<768x768xbf16>, vector<768x3200xbf16>, vector<768x3200xf32> -> vector<768x3200xf32>
    %get3A_10 = arith.constant 0 : index
    %get3A_11 = arith.constant 0 : index
    %get3A_12 = vector.load %arg3[%get3A_10, %get3A_11] : memref<1x3200xf32, #tpu.memory_space<vmem>>, vector<1x3200xf32>
    %add3A = vector.broadcast %get3A_12 : vector<1x3200xf32> to vector<768x3200xf32>
    %add3A_13 = arith.addf %dot_general3A_9, %add3A : vector<768x3200xf32>
    %reduce_max3A = arith.constant dense<0xFF800000> : vector<768xf32>
    %reduce_max3A_14 = vector.multi_reduction <maximumf>, %add3A_13, %reduce_max3A [1] : vector<768x3200xf32> to vector<768xf32>
    %broadcast_in_dim3A = vector.shape_cast %reduce_max3A_14 : vector<768xf32> to vector<768x1xf32>
    %get3A_15 = arith.constant 0 : index
    %get3A_16 = arith.constant 0 : index
    %get3A_17 = vector.load %arg7[%get3A_15, %get3A_16] : memref<768x1xf32, #tpu.memory_space<vmem>>, vector<768x1xf32>
    %max3A = arith.maximumf %get3A_17, %broadcast_in_dim3A : vector<768x1xf32>
    %get3A_18 = arith.constant 0 : index
    %get3A_19 = arith.constant 0 : index
    %get3A_20 = vector.load %arg8[%get3A_18, %get3A_19] : memref<768x1xf32, #tpu.memory_space<vmem>>, vector<768x1xf32>
    %get3A_21 = arith.constant 0 : index
    %get3A_22 = arith.constant 0 : index
    %get3A_23 = vector.load %arg7[%get3A_21, %get3A_22] : memref<768x1xf32, #tpu.memory_space<vmem>>, vector<768x1xf32>
    %sub3A = arith.subf %get3A_23, %max3A : vector<768x1xf32>
    %exp3A = math.exp %sub3A : vector<768x1xf32>
    %mul3A = arith.mulf %get3A_20, %exp3A : vector<768x1xf32>
    %sub3A_24 = vector.broadcast %max3A : vector<768x1xf32> to vector<768x3200xf32>
    %sub3A_25 = arith.subf %add3A_13, %sub3A_24 : vector<768x3200xf32>
    %exp3A_26 = math.exp %sub3A_25 : vector<768x3200xf32>
    %reduce_sum3A = arith.constant dense<0.000000e+00> : vector<768xf32>
    %reduce_sum3A_27 = vector.multi_reduction <add>, %exp3A_26, %reduce_sum3A [1] : vector<768x3200xf32> to vector<768xf32>
    %broadcast_in_dim3A_28 = vector.shape_cast %reduce_sum3A_27 : vector<768xf32> to vector<768x1xf32>
    %add3A_29 = arith.addf %mul3A, %broadcast_in_dim3A_28 : vector<768x1xf32>
    %swap3A = arith.constant 0 : index
    %swap3A_30 = arith.constant 0 : index
    %swap3A_31 = vector.load %arg8[%swap3A, %swap3A_30] : memref<768x1xf32, #tpu.memory_space<vmem>>, vector<768x1xf32>
    tpu.vector_store %arg8[%swap3A, %swap3A_30], %add3A_29 {strides = array<i32>} : memref<768x1xf32, #tpu.memory_space<vmem>>, vector<768x1xf32>,
    %swap3A_32 = arith.constant 0 : index
    %swap3A_33 = arith.constant 0 : index
    %swap3A_34 = vector.load %arg7[%swap3A_32, %swap3A_33] : memref<768x1xf32, #tpu.memory_space<vmem>>, vector<768x1xf32>
    tpu.vector_store %arg7[%swap3A_32, %swap3A_33], %max3A {strides = array<i32>} : memref<768x1xf32, #tpu.memory_space<vmem>>, vector<768x1xf32>,
    %get3A_35 = arith.constant 0 : index
    %get3A_36 = arith.constant 0 : index
    %get3A_37 = vector.load %arg4[%get3A_35, %get3A_36] : memref<768x1xf32, #tpu.memory_space<vmem>>, vector<768x1xf32>
    %convert_element_type3A_38 = arith.sitofp %arg0 : i32 to f32
    %mul3A_39 = arith.constant 3.200000e+03 : f32
    %mul3A_40 = arith.mulf %mul3A_39, %convert_element_type3A_38 : f32
    %sub3A_41 = vector.broadcast %mul3A_40 : f32 to vector<768x1xf32>
    %sub3A_42 = arith.subf %get3A_37, %sub3A_41 : vector<768x1xf32>
    %iota3A = tpu.iota {dimensions = array<i32: 1>} : vector<1x3200xi32>
    %convert_element_type3A_43 = arith.sitofp %iota3A : vector<1x3200xi32> to vector<1x3200xf32>
    %get3A_44 = arith.constant 0 : index
    %get3A_45 = arith.constant 0 : index
    %get3A_46 = vector.load %arg9[%get3A_44, %get3A_45] : memref<768x1xf32, #tpu.memory_space<vmem>>, vector<768x1xf32>
    %eq3A_47 = vector.broadcast %sub3A_42 : vector<768x1xf32> to vector<768x3200xf32>
    %eq3A_48 = vector.broadcast %convert_element_type3A_43 : vector<1x3200xf32> to vector<768x3200xf32>
    %eq3A_49 = arith.cmpf oeq, %eq3A_47, %eq3A_48 : vector<768x3200xf32>
    %jit3A = arith.constant 0.000000e+00 : f32
    %broadcast_in_dim3A_50 = vector.broadcast %jit3A : f32 to vector<768x3200xf32>
    %select_n3A = arith.select %eq3A_49, %add3A_13, %broadcast_in_dim3A_50 : vector<768x3200xi1>, vector<768x3200xf32>
    %reduce_sum3A_51 = arith.constant dense<0.000000e+00> : vector<768xf32>
    %reduce_sum3A_52 = vector.multi_reduction <add>, %select_n3A, %reduce_sum3A_51 [1] : vector<768x3200xf32> to vector<768xf32>
    %broadcast_in_dim3A_53 = vector.shape_cast %reduce_sum3A_52 : vector<768xf32> to vector<768x1xf32>
    %add3A_54 = arith.addf %get3A_46, %broadcast_in_dim3A_53 : vector<768x1xf32>
    %swap3A_55 = arith.constant 0 : index
    %swap3A_56 = arith.constant 0 : index
    %swap3A_57 = vector.load %arg9[%swap3A_55, %swap3A_56] : memref<768x1xf32, #tpu.memory_space<vmem>>, vector<768x1xf32>
    tpu.vector_store %arg9[%swap3A_55, %swap3A_56], %add3A_54 {strides = array<i32>} : memref<768x1xf32, #tpu.memory_space<vmem>>, vector<768x1xf32>,
    %eq3A_58 = arith.constant 0 : i32
    %eq3A_59 = arith.cmpi eq, %arg0, %eq3A_58 : i32
    %convert_element_type3A_60 = arith.extui %eq3A_59 : i1 to i32
    %cond3A_61 = arith.constant 0 : i32
    %cond3A_62 = arith.cmpi ne, %convert_element_type3A_60, %cond3A_61 : i32
    scf.if %cond3A_62 {
      %get3A_63 = arith.constant 0 : index
      %get3A_64 = arith.constant 0 : index
      %get3A_65 = vector.load %arg7[%get3A_63, %get3A_64] : memref<768x1xf32, #tpu.memory_space<vmem>>, vector<768x1xf32>
      %get3A_66 = arith.constant 0 : index
      %get3A_67 = arith.constant 0 : index
      %get3A_68 = vector.load %arg8[%get3A_66, %get3A_67] : memref<768x1xf32, #tpu.memory_space<vmem>>, vector<768x1xf32>
      %log3A = math.log %get3A_68 : vector<768x1xf32>
      %add3A_69 = arith.addf %get3A_65, %log3A : vector<768x1xf32>
      %get3A_70 = arith.constant 0 : index
      %get3A_71 = arith.constant 0 : index
      %get3A_72 = vector.load %arg5[%get3A_70, %get3A_71] : memref<768x1xf32, #tpu.memory_space<vmem>>, vector<768x1xf32>
      %get3A_73 = arith.constant 0 : index
      %get3A_74 = arith.constant 0 : index
      %get3A_75 = vector.load %arg9[%get3A_73, %get3A_74] : memref<768x1xf32, #tpu.memory_space<vmem>>, vector<768x1xf32>
      %sub3A_76 = arith.subf %add3A_69, %get3A_75 : vector<768x1xf32>
      %mul3A_77 = arith.mulf %get3A_72, %sub3A_76 : vector<768x1xf32>
      %reduce_sum3A_78 = vector.shape_cast %get3A_72 : vector<768x1xf32> to vector<1x768x1xf32>
      %reduce_sum3A_79 = arith.constant dense<0.000000e+00> : vector<1xf32>
      %reduce_sum3A_80 = vector.multi_reduction <add>, %reduce_sum3A_78, %reduce_sum3A_79 [1, 2] : vector<1x768x1xf32> to vector<1xf32>
      %reduce_sum3A_81 = vector.shape_cast %reduce_sum3A_80 : vector<1xf32> to vector<1x1x1xf32>
      %reduce_sum3A_82 = vector.extract %reduce_sum3A_81[0, 0, 0] : f32 from vector<1x1x1xf32>
      %reduce_sum3A_83 = vector.shape_cast %mul3A_77 : vector<768x1xf32> to vector<1x768x1xf32>
      %reduce_sum3A_84 = arith.constant dense<0.000000e+00> : vector<1xf32>
      %reduce_sum3A_85 = vector.multi_reduction <add>, %reduce_sum3A_83, %reduce_sum3A_84 [1, 2] : vector<1x768x1xf32> to vector<1xf32>
      %reduce_sum3A_86 = vector.shape_cast %reduce_sum3A_85 : vector<1xf32> to vector<1x1x1xf32>
      %reduce_sum3A_87 = vector.extract %reduce_sum3A_86[0, 0, 0] : f32 from vector<1x1x1xf32>
      %max3A_88 = arith.constant 1.000000e+00 : f32
      %max3A_89 = arith.maximumf %reduce_sum3A_82, %max3A_88 : f32
      %div3A = arith.divf %reduce_sum3A_87, %max3A_89 : f32
      %reshape3A = vector.broadcast %div3A : f32 to vector<1x1xf32>
      %swap3A_90 = arith.constant 0 : index
      %swap3A_91 = arith.constant 0 : index
      %swap3A_92 = vector.load %arg6[%swap3A_90, %swap3A_91] : memref<1x1xf32, #tpu.memory_space<vmem>>, vector<1x1xf32>
      tpu.vector_store %arg6[%swap3A_90, %swap3A_91], %reshape3A {strides = array<i32>} : memref<1x1xf32, #tpu.memory_space<vmem>>, vector<1x1xf32>,
    } else {
    }
    return
  }
  func.func @transform_0(%arg0: i32) -> (i32, i32) {
    %c0_i32 = arith.constant 0 : i32
    %c0_i32_0 = arith.constant 0 : i32
    %c0_i32_1 = arith.constant 0 : i32
    return %c0_i32, %c0_i32_0 : i32, i32
  }
  func.func @transform_1(%arg0: i32) -> (i32, i32) {
    %c0_i32 = arith.constant 0 : i32
    %c0_i32_0 = arith.constant 0 : i32
    return %c0_i32, %arg0 : i32, i32
  }
  func.func @transform_2(%arg0: i32) -> (i32, i32) {
    %c0_i32 = arith.constant 0 : i32
    %c0_i32_0 = arith.constant 0 : i32
    return %c0_i32, %arg0 : i32, i32
  }
  func.func @transform_3(%arg0: i32) -> (i32, i32) {
    %c0_i32 = arith.constant 0 : i32
    %c0_i32_0 = arith.constant 0 : i32
    %c0_i32_1 = arith.constant 0 : i32
    return %c0_i32, %c0_i32_0 : i32, i32
  }
  func.func @transform_4(%arg0: i32) -> (i32, i32) {
    %c0_i32 = arith.constant 0 : i32
    %c0_i32_0 = arith.constant 0 : i32
    %c0_i32_1 = arith.constant 0 : i32
    return %c0_i32, %c0_i32_0 : i32, i32
  }
  func.func @transform_5(%arg0: i32) -> (i32, i32) {
    %c0_i32 = arith.constant 0 : i32
    %c0_i32_0 = arith.constant 0 : i32
    %c0_i32_1 = arith.constant 0 : i32
    return %c0_i32, %c0_i32_0 : i32, i32
  }
}

</mosaic_0001>

<sc_bundles>
// kernel: kernel.4.cloned.1.call-start
scs
__scs_entry_jumppad:
0x0: {  	(pc) =	sbr.rel $0x88, $3  }
0x1: {  	(tag) =	ssettag $0x0;
	lr =	simm.s32 $0x1  }
0x2: {  	[smem:$0x3F9E] =	sst lr;
	_ =	strace $0xD0000000  }
0x3: {  	_ = 	snop  }
0x4: {  	_ = 	snop  }
0x5: {  	_ = 	snop  }
0x6: {  	_ = 	snop  }
0x7: {  	_ = 	snop  }
__scs_overlays_trampoline_lowered:
0x8: {  	[smem:$0x3FAD] =	sst s0  }
0x9: {  	[smem:$0x3FAE] =	sst s1  }
0xa: {  	[smem:$0x3FAF] =	sst s2  }
0xb: {  	[smem:$0x3FB0] =	sst s3  }
0xc: {  	[smem:$0x3FB1] =	sst s4  }
0xd: {  	[smem:$0x3FB2] =	sst s5  }
0xe: {  	[smem:$0x3FB3] =	sst s6  }
0xf: {  	[smem:$0x3FB4] =	sst s7  }
0x10: {  	[smem:$0x3FB5] =	sst s8  }
0x11: {  	[smem:$0x3FB6] =	sst s9;
	s0 =	simm.s32 @!p0 $0x0  }
0x12: {  	s1 =	sld [smem:$0x3F9C];
	s0 =	simm.s32 @p0 $0x1  }
0x13: {  	[smem:$0x3FB7] =	sst s0;
	s0 =	simm.s32 @!p1 $0x0  }
0x14: {  	s2 =	sld [smem:$0x3F9B];
	s0 =	simm.s32 @p1 $0x1  }
0x15: {  	[smem:$0x3FB8] =	sst s0;
	s0 =	simm.s32 @!p2 $0x0  }
0x16: {  	s3 =	sld [smem:$0x3FDB];
	s0 =	simm.s32 @p2 $0x1  }
0x17: {  	s4 =	simm.s32 $0x1BF5;
	[smem:$0x3FBA] =	sst s0  }
0x18: {  	s0 =	sld [smem:$0x3F9D];
	_ =	swait.ge [sflag:s4], $0x0  }
0x19: {  	s7 =	sld [smem:$0x3F9E]  }
0x1a: {  	s8 =	sadd.s32 $0xFFFFE003, lr  }
0x1b: {  	s9 =	sadd.s32 $0xFFFFFEF7, lr;
	s5 =	simm.s32 $0xFFFFFFFF;
	p2 =	slt.u32 s8, $0xFFFFF086  }
0x1c: {  	p1 =	slt.u32 s9, $0xF7A;
	s5 =	simm.s32 @!p2 $0x0  }
0x1d: {  	s5 =	simm.s32 @p1 $0x1;
	p0 =	seq.s32 s7, s2  }
0x1e: {  	s7 =	smul.u32 @!p0 $0xF7A, s2;
	p2 =	seq.s32 @!p0 s5, $0x0  }
0x1f: {  	s9 =	smul.u32 $0xF7A, s1;
	s8 =	simm.s32 @!p0 $0x1BF5;
	p2 =	por !p2, p0  }
0x20: {  	[sflag:s8] =	ssyncset.s32 @!p0 $0xFFFFF086;
	s6 =	sadd.s32 @!p0 s3, s7;
	s7 =	simm.s32 @!p0 $0x108  }
0x21: {  	s3 =	sadd.s32 s3, s9;
	s6 =	sadd.s32 @!p0 $0x88, s6;
	s7 =	simm.s32 @p2 $0x1082  }
0x22: {  	[simem:s7], [sflag:s8] =	dma.local @!p0 [hbm:s6], $0xF7A  }
0x23: {  	s9 =	sor.u32 $0xD0000000, s2;
	s6 =	simm.s32 $0x108;
	_ =	swait.ge @!p0 [sflag:s8], $0x0  }
0x24: {  	s3 =	sadd.s32 $0x88, s3;
	s6 =	simm.s32 @!p1 $0x1082;
	[sflag:s4] =	ssyncset.s32 $0xFFFFF086  }
0x25: {  	[simem:s6], [sflag:s4] =	dma.local [hbm:s3], $0xF7A  }
0x26: {  	[smem:$0x3F9E] =	sst s1;
	(tag) =	ssettag s2;
	_ =	strace s9  }
0x27: {  	s1 =	sld [smem:$0x3FAE]  }
0x28: {  	s2 =	sld [smem:$0x3FAF]  }
0x29: {  	s4 =	sld [smem:$0x3FB1]  }
0x2a: {  	p0 =	seq.s32 s5, $0x0;
	s5 =	sld [smem:$0x3FB2]  }
0x2b: {  	s6 =	sld [smem:$0x3FB3]  }
0x2c: {  	s7 =	sld [smem:$0x3FB4]  }
0x2d: {  	s3 =	simm.s32 $0x108;
	s8 =	sld [smem:$0x3FB5]  }
0x2e: {  	s3 =	simm.s32 @!p0 $0x1082;
	s9 =	sld [smem:$0x3FB6]  }
0x2f: {  	lr =	sadd.s32 s0, s3;
	s0 =	sld [smem:$0x3FAD]  }
0x30: {  	s3 =	sld [smem:$0x3FB0]  }
0x31: {  	[smem:$0x3FB9] =	sst s10  }
0x32: {  	s10 =	sld [smem:$0x3FB7];
	_ =	sdelay $0x3  }
0x33: {  	p0 =	seq.s32 s10, $0x1;
	s10 =	sld [smem:$0x3FB9];
	_ =	sdelay $0x3  }
0x34: {  	[smem:$0x3FB9] =	sst s10  }
0x35: {  	s10 =	sld [smem:$0x3FB8];
	_ =	sdelay $0x3  }
0x36: {  	p1 =	seq.s32 s10, $0x1;
	s10 =	sld [smem:$0x3FB9];
	_ =	sdelay $0x3  }
0x37: {  	[smem:$0x3FB9] =	sst s10  }
0x38: {  	s10 =	sld [smem:$0x3FBA]  }
0x39: {  	_ = 	snop;
	(pc) =	sbr.ind lr, $3  }
0x3a: {  	_ = 	snop  }
0x3b: {  	_ = 	snop  }
0x3c: {  	p2 =	seq.s32 s10, $0x1;
	s10 =	sld [smem:$0x3FB9]  }
0x3d: {  	_ =	shalt  }
0x3e: {  	_ =	shalt  }
0x3f: {  	_ =	shalt  }
0x40: {  	_ =	shalt  }
0x41: {  	_ =	shalt  }
0x42: {  	_ =	shalt  }
0x43: {  	_ =	shalt  }
0x44: {  	_ =	shalt  }
0x45: {  	_ =	shalt  }
0x46: {  	_ =	shalt  }
0x47: {  	_ =	shalt  }
0x48: {  	_ =	shalt  }
0x49: {  	_ =	shalt  }
0x4a: {  	_ =	shalt  }
0x4b: {  	_ =	shalt  }
0x4c: {  	_ =	shalt  }
0x4d: {  	_ =	shalt  }
0x4e: {  	_ =	shalt  }
0x4f: {  	_ =	shalt  }
0x50: {  	_ =	shalt  }
0x51: {  	_ =	shalt  }
0x52: {  	_ =	shalt  }
0x53: {  	_ =	shalt  }
0x54: {  	_ =	shalt  }
0x55: {  	_ =	shalt  }
0x56: {  	_ =	shalt  }
0x57: {  	_ =	shalt  }
0x58: {  	_ =	shalt  }
0x59: {  	_ =	shalt  }
0x5a: {  	_ =	shalt  }
0x5b: {  	_ =	shalt  }
0x5c: {  	_ =	shalt  }
0x5d: {  	_ =	shalt  }
0x5e: {  	_ =	shalt  }
0x5f: {  	_ =	shalt  }
0x60: {  	_ =	shalt  }
0x61: {  	_ =	shalt  }
0x62: {  	_ =	shalt  }
0x63: {  	_ =	shalt  }
0x64: {  	_ =	shalt  }
0x65: {  	_ =	shalt  }
0x66: {  	_ =	shalt  }
0x67: {  	_ =	shalt  }
0x68: {  	_ =	shalt  }
0x69: {  	_ =	shalt  }
0x6a: {  	_ =	shalt  }
0x6b: {  	_ =	shalt  }
0x6c: {  	_ =	shalt  }
0x6d: {  	_ =	shalt  }
0x6e: {  	_ =	shalt  }
0x6f: {  	_ =	shalt  }
0x70: {  	_ =	shalt  }
0x71: {  	_ =	shalt  }
0x72: {  	_ =	shalt  }
0x73: {  	_ =	shalt  }
0x74: {  	_ =	shalt  }
0x75: {  	_ =	shalt  }
0x76: {  	_ =	shalt  }
0x77: {  	_ =	shalt  }
0x78: {  	_ =	shalt  }
0x79: {  	_ =	shalt  }
0x7a: {  	_ =	shalt  }
0x7b: {  	_ =	shalt  }
0x7c: {  	_ =	shalt  }
0x7d: {  	_ =	shalt  }
0x7e: {  	_ =	shalt  }
0x7f: {  	_ =	shalt  }
0x80: {  	_ =	shalt  }
0x81: {  	_ =	shalt  }
0x82: {  	_ =	shalt  }
0x83: {  	_ =	shalt  }
0x84: {  	_ =	shalt  }
0x85: {  	_ =	shalt  }
0x86: {  	_ =	shalt  }
0x87: {  	_ =	shalt  }
.Lfunc_end0:
.L_simem_size_0:
called_computation_lowered:
.L_overlay_start_0:
0x88: {  	s2 =	sld [smem:$0x3FD9]  }
0x89: {  	s3 =	sld [smem:$0x3FFE];
	_ =	sdelay $0x1  }
0x8a: {  	s1 =	srdreg.scid  }
0x8b: {  	s0 =	sand.u32 $0x1, s1  }
0x8c: {  	s17 =	sshll.u32 s0, $0xA;
	s2 =	sadd.s32 s3, s2  }
0x8d: {  	s2 =	sadd.s32 s2, s17  }
0x8e: {  	[smem:$0x3FC5] =	sst s2  }
0x8f: {  	_ = 	snop  }
0x90: {  	s2 =	sld [smem:$0x3FC9];
	(tm) =	ssettm $0x1  }
0x91: {  	s18 =	sld [smem:$0x3FFB];
	_ =	sdelay $0x3  }
0x92: {  	_ =	strace s18  }
0x93: {  	s3 =	sld [smem:$0x3FFC];
	_ =	sdelay $0x3  }
0x94: {  	_ =	strace s3  }
0x95: {  	s3 =	sld [smem:$0x3FFD];
	_ =	sdelay $0x3  }
0x96: {  	_ =	strace s3  }
0x97: {  	_ =	strace $0x8FFFFFFF  }
0x98: {  	s19 =	sld [smem:$0x3FDB];
	_ =	sdelay $0x1  }
0x99: {  	s4 =	simm.s32 $_scs_section_size  }
0x9a: {  	s5 =	simm.s32 $_size__tile_overlayer_lowered;
	s6 =	simm.s32 $_tile_overlayer_lowered  }
0x9b: {  	s22 =	simm.s32 $0x1BFF;
	s21 =	sshll.u32 s6, $0x1;
	s3 =	sadd.s32 s4, s19  }
0x9c: {  	s7 =	simm.s32 $0x0;
	s20 =	sshll.u32 s5, $0x1;
	s5 =	sadd.s32 s21, s3  }
0x9d: {  	[timem:s7], [sflag:s22] =	dma.local [hbm:s5], s20  }
0x9e: {  	_ =	swait.ge [sflag:s22], s20  }
0x9f: {  	s4 =	ssub.s32 $0x0, s20;
	[sflag:s22] =	ssyncset.done $0x0  }
0xa0: {  	[sflag:s22] =	ssyncadd.s32 s4;
	_ =	sdelay $0x1  }
0xa1: {  	s23 =	simm.s32 $0x1B8B  }
0xa2: {  	_ =	swait.ge [sflag:s23], $0x1  }
0xa3: {  	[sflag:s23] =	ssyncset.done $0x0  }
0xa4: {  	s25 =	simm.s32 $0x1B8E;
	s24 =	sld [smem:$0x3FFE];
	[sflag:s23] =	ssyncadd.s32 $0xFFFFFFFF  }
0xa5: {  	s26 =	simm.s32 $execute0_lowered;
	[smem:$0x3FD2] =	sst s25  }
0xa6: {  	s5 =	sshll.u32 s26, $0x1;
	_ =	strace $0x80000046;
	[dreg:$0x1] =	wrdreg $0xFFFFFFFF  }
0xa7: {  	s28 =	simm.s32 $_size_execute0_lowered;
	s3 =	sadd.s32 s3, s5;
	[dreg:$0x0] =	wrdreg $0x0  }
0xa8: {  	s5 =	sshll.u32 s28, $0x1;
	[dreg:$0x2] =	wrdreg s3  }
0xa9: {  	[dreg:$0x3] =	wrdreg s5  }
0xaa: {  	[dreg:$0x4] =	wrdreg $0xC0  }
0xab: {  	_ =	task [dreg:s7], $0x5FFFF  }
0xac: {  	[dreg:$0x1] =	wrdreg $0xFFFFFFFF  }
0xad: {  	[dreg:$0x0] =	wrdreg $0x60  }
0xae: {  	[dreg:$0x2] =	wrdreg s24  }
0xaf: {  	[dreg:$0x3] =	wrdreg s2  }
0xb0: {  	[dreg:$0x4] =	wrdreg $0x9  }
0xb1: {  	_ =	task.clear_ibuf [dreg:s7], $0x5FFFF;
	_ =	strace $0x90000046  }
0xb2: {  	s29 =	simm.s32 $0x9;
	_ =	strace $0x80000048  }
0xb3: {  	_ =	swait.ge [sflag:s29], $0x1  }
0xb4: {  	[sflag:s29] =	ssyncadd.s32 $0xFFFFFFFF  }
0xb5: {  	_ =	strace $0x90000048  }
0xb6: {  	_ =	sfence  }
0xb7: {  	s30 =	sld [smem:$0x0];
	_ =	sdelay $0x2  }
0xb8: {  	s31 =	sshll.u32 s1, $0xD;
	s1 =	sshrl.u32 s1, $0x2  }
0xb9: {  	s3 =	sand.u32 $0x4000, s31;
	s1 =	sadd.s32 s1, s30  }
0xba: {  	s0 =	sor.u32 s3, s0;
	s1 =	sshll.u32 s1, $0x11  }
0xbb: {  	s0 =	sor.u32 s1, s0  }
0xbc: {  	s0 =	sadd.s32 $0x8F2B, s0  }
0xbd: {  	[sflag:s0] =	ssyncadd.remote.s32 $0x1  }
0xbe: {  	_ =	sfence.sel $0xFFFF  }
0xbf: {  	[dreg:$0x0] =	wrdreg $0xFFFFFFFF;
	(pc) =	sbr.abs _section_cstart, $3  }
0xc0: {  	[dreg:$0x1] =	wrdreg $0xFFFFFFFF  }
0xc1: {  	_ =	task.clear_ibuf [dreg:s7], $0x2FFFF;
	_ =	strace $0x9FFFFFFF  }
0xc2: {  	(tm) =	ssettm $0x7FFFFFFF  }
0xc3: {  	_ =	shalt  }
tec
execute0_lowered:
.L_overlay_start_1:
0x0: {  	(tag) =	ssettag $0x1  }
0x1: {  	s1 =	srdreg.scid;
	s4 =	rddreg [dreg:$0x0]  }
0x2: {  	s0 =	stileid.u32;
	s2 =	rddreg [dreg:$0x1]  }
0x3: {  	s3 =	simm.s32 $0x0;
	s10 =	simm.s32 $0x80;
	s11 =	simm.s32 $0x880  }
0x4: {  	s12 =	simm.s32 $0x1080;
	s13 =	simm.s32 $0x1880;
	s14 =	simm.s32 $0x2080  }
0x5: {  	s15 =	simm.s32 $0x2880;
	s16 =	simm.s32 $0x3080;
	s17 =	simm.s32 $0x3880  }
0x6: {  	s18 =	simm.s32 $0x4080;
	s5 =	sand.u32 $0x1, s1;
	s31 =	sshll.u32 s0, $0x1  }
0x7: {  	s19 =	simm.s32 $0x1;
	s1 =	rddreg [dreg:$0x2];
	s6 =	sor.u32 s5, s31  }
0x8: {  	[smem:$0x7FF] =	sst s3;
	s5 =	ssub.s32 $0x2, s5;
	s7 =	smul.u32 $0x3, s6  }
0x9: {  	_ =	strace $0x80000047;
	s6 =	smul.u32 $0x900, s6;
	s8 =	sshrl.u32 s5, $0x1  }
0xa: {  	v2 =	vlaneseq.u32;
	s8 =	ssub.s32 s5, s8;
	s5 =	sadd.s32 $0x100, s2;
	s7 =	sadd.s32 s7, s4  }
0xb: {  	vm0 =	vmmov $0xffff;
	v1 =	vshrl.u32 v2, $0x3;
	s9 =	sadd.s32 s6, s4;
	s6 =	sadd.s32 $0x200, s2;
	s8 =	smax.u32 s8, $0x1  }
0xc: {  	v0 =	vand.u32 $0x7, v2;
	v2 =	vor.u32 $0x8, v2;
	v1 =	vmul.u32 $0x8, v1;
	s4 =	sadd.s32 $0x800, s7;
	s7 =	sadd.s32 $0xA00, s9;
	s9 =	simm.s32 $0x2  }
.LBB2_1:
0xd: {  	[tilespmem:s3], [sflag:$0x2] =	stream.linear.gather [hbm4b:s4+s3], $0x18, $0x38;
	[tilespmem:$0x4880] =	vst v63  }
0xe: {  	_ =	swait.ge [sflag:s9], $0x18  }
0xf: {  	[sflag:s9] =	ssyncset.done $0x0  }
0x10: {  	[sflag:s9] =	ssyncadd.s32 $0xFFFFFFE8  }
0x11: {  	v3 =	vld [tilespmem:$0x0];
	_ =	sdelay $0x4  }
0x12: {  	v4 =	vshrl.u32 v3, $0x3  }
0x13: {  	v4 =	vmul.u32 $0x30, v4  }
0x14: {  	v3 =	vand.u32 $0x7, v3  }
0x15: {  	v3 =	vor.u32 v3, v4  }
0x16: {  	v4 =	vperm.xlane v3, v0;
	_ =	sdelay $0x1  }
0x17: {  	v4 =	vadd.s32 v1, v4;
	_ =	sdelay $0x3  }
0x18: {  	v3 =	vperm.xlane v3, v2  }
0x19: {  	[tilespmem:s10], [sflag:$0x1] =	stream.indirect_vreg.gather [hbm4b:s2+s3], $0x80, v4, vm0, $0xb8;
	[tilespmem:$0x4880] =	vst v63  }
0x1a: {  	v3 =	vadd.s32 v1, v3  }
0x1b: {  	[tilespmem:s11], [sflag:$0x1] =	stream.indirect_vreg.gather [hbm4b:s5+s3], $0x80, v4, vm0, $0xb8;
	[tilespmem:$0x4880] =	vst v63  }
0x1c: {  	_ = 	snop  }
0x1d: {  	[tilespmem:s12], [sflag:$0x1] =	stream.indirect_vreg.gather [hbm4b:s6+s3], $0x80, v4, vm0, $0xb8;
	[tilespmem:$0x4880] =	vst v63  }
0x1e: {  	_ = 	snop  }
0x1f: {  	[tilespmem:s13], [sflag:$0x1] =	stream.indirect_vreg.gather [hbm4b:s2+s3], $0x80, v3, vm0, $0xb8;
	[tilespmem:$0x4880] =	vst v63  }
0x20: {  	_ = 	snop  }
0x21: {  	[tilespmem:s14], [sflag:$0x1] =	stream.indirect_vreg.gather [hbm4b:s5+s3], $0x80, v3, vm0, $0xb8;
	[tilespmem:$0x4880] =	vst v63  }
0x22: {  	_ = 	snop  }
0x23: {  	[tilespmem:s15], [sflag:$0x1] =	stream.indirect_vreg.gather [hbm4b:s6+s3], $0x80, v3, vm0, $0xb8;
	[tilespmem:$0x4880] =	vst v63  }
0x24: {  	v3 =	vld.msk [tilespmem:$0x10], $0xff;
	_ =	sdelay $0x4  }
0x25: {  	v63 =	vshrl.u32 v3, $0x3  }
0x26: {  	v4 =	vmul.u32 $0x30, v63  }
0x27: {  	v3 =	vand.u32 $0x7, v3  }
0x28: {  	v3 =	vor.u32 v3, v4  }
0x29: {  	v3 =	vperm.xlane v3, v0;
	_ =	sdelay $0x1  }
0x2a: {  	v3 =	vadd.s32 v1, v3;
	_ =	sdelay $0x4  }
0x2b: {  	[tilespmem:s16], [sflag:$0x1] =	stream.indirect_vreg.gather [hbm4b:s2+s3], $0x80, v3, vm0, $0xb8;
	[tilespmem:$0x4880] =	vst v63  }
0x2c: {  	_ = 	snop  }
0x2d: {  	[tilespmem:s17], [sflag:$0x1] =	stream.indirect_vreg.gather [hbm4b:s5+s3], $0x80, v3, vm0, $0xb8;
	[tilespmem:$0x4880] =	vst v63  }
0x2e: {  	_ = 	snop  }
0x2f: {  	[tilespmem:s18], [sflag:$0x1] =	stream.indirect_vreg.gather [hbm4b:s6+s3], $0x80, v3, vm0, $0xb8;
	[tilespmem:$0x4880] =	vst v63  }
0x30: {  	_ =	swait.ge [sflag:s19], $0x4800  }
0x31: {  	p0 =	sne.s32 s8, $0x1;
	[sflag:s19] =	ssyncset.done $0x0  }
.Ltmp0:
0x32: {  	[sflag:s19] =	ssyncadd.s32 $0xFFFFB800;
	(pc) =	sbr.rel @p0 .LBB2_1-.Ltmp0, $4  }
0x33: {  	[hbm4b:s7+s3] =	stream.linear.scatter [tilespmem:s10], [sflag:$0x2], $0x4800, $0x38;
	[tilespmem:$0x4880] =	vst v63  }
0x34: {  	_ =	swait.ge [sflag:s9], $0x4800  }
0x35: {  	[sflag:s9] =	ssyncset.done $0x0  }
0x36: {  	s8 =	sadd.s32 $0xFFFFFFFF, s8;
	[sflag:s9] =	ssyncadd.s32 $0xFFFFB800  }
0x37: {  	_ =	sfence.sel $0x180000  }
0x38: {  	[bflag:$0x0] =	sbarrier.arrive $0xFFFF  }
0x39: {  	p0 =	sne.s32 s0, $0x0;
	_ =	strace $0x90000047  }
0x3a: {  	s0 =	sadd.s32 @!p0 $0x100000, s1;
	[bflag:$0x2] =	sbarrier.arrive $0xFFFF  }
0x3b: {  	[sflag:s0] =	ssyncadd.tile.s32 @!p0 $0x1;
	_ =	shalt  }
.Lfunc_end2:
_tile_overlayer_lowered:
.L_overlay_start_2:
0x3c: {  	(tag) =	ssettag $0x2  }
0x3d: {  	s0 =	rddreg [dreg:$0x0];
	s2 =	stileid.u32  }
0x3e: {  	s1 =	rddreg [dreg:$0x1];
	p0 =	sne.s32 s2, $0x0  }
0x3f: {  	s3 =	rddreg [dreg:$0x2];
	[bflag:$0x3] =	sbarrier.arrive $0xFFFF;
	s2 =	simm.s32 @!p0 $0x1C02  }
0x40: {  	[timem:s3], [sflag:s2] =	dma.local @!p0 [hbm:s0], s1  }
0x41: {  	s0 =	simm.s32 @!p0 $0x2  }
0x42: {  	_ =	swait.ge @!p0 [sflag:s0], s1  }
0x43: {  	s1 =	ssub.s32 @!p0 $0x0, s1;
	[sflag:s0] =	ssyncset.done @!p0 $0x0  }
0x44: {  	[sflag:s0] =	ssyncadd.s32 @!p0 s1  }
0x45: {  	[bflag:$0x3] =	sbarrier.arrive $0xFFFF  }
0x46: {  	_ =	shalt  }

</sc_bundles>
